<compile_context>
chip_gen: v7x
topology: tpu7x:2x2x1
jax: 0.10.2.dev20260603
libtpu: 0.0.44.dev20260713+nightly
codegen_flags: <defaults>
</compile_context>

<pallas_src>
import functools

import jax
import jax.numpy as jnp
from jax import lax
from jax.experimental import pallas as pl
from jax.experimental.pallas import tpu as pltpu
from jax.experimental.pallas import tpu_sc as plsc

_NUM_CORES = 2
_NUM_SUBCORES = 16
_NUM_WORKERS = _NUM_CORES * _NUM_SUBCORES
_CHUNK = 400
_D_OUT = 128


@functools.partial(jax.jit, static_argnames=("n_chunks", "d_word", "d_pos"))
def _embed(word_i, pos1_i, pos2_i, word_table, pos1_table, pos2_table,
           n_chunks, d_word, d_pos):
    n_total = _NUM_WORKERS * n_chunks * _CHUNK
    mesh = plsc.VectorSubcoreMesh(core_axis_name="c", subcore_axis_name="s")

    @functools.partial(
        pl.kernel,
        mesh=mesh,
        compiler_params=pltpu.CompilerParams(use_tc_tiling_on_sc=False),
        out_type=jax.ShapeDtypeStruct((n_total, _D_OUT), jnp.float32),
        scratch_types=[
            pltpu.VMEM((n_chunks, _CHUNK), jnp.int32),
            pltpu.VMEM((n_chunks, _CHUNK), jnp.int32),
            pltpu.VMEM((n_chunks, _CHUNK), jnp.int32),
            pltpu.VMEM((_CHUNK, _D_OUT), jnp.float32),
            pltpu.VMEM((_CHUNK, 16), jnp.float32),
            pltpu.VMEM((_CHUNK, 16), jnp.float32),
            pltpu.SemaphoreType.DMA,
            pltpu.SemaphoreType.DMA,
            pltpu.SemaphoreType.DMA,
        ],
    )
    def emb_kernel(w_hbm, p1_hbm, p2_hbm, wt_hbm, p1t_hbm, p2t_hbm, out_hbm,
                   widx, p1idx, p2idx, wbuf, p1buf, p2buf, semw, sem1, sem2):
        wid = lax.axis_index("s") * _NUM_CORES + lax.axis_index("c")
        pltpu.sync_copy(w_hbm.at[wid], widx)
        pltpu.sync_copy(p1_hbm.at[wid], p1idx)
        pltpu.sync_copy(p2_hbm.at[wid], p2idx)
        base0 = wid * (n_chunks * _CHUNK)

        def body(j, carry):
            cw = pltpu.async_copy(wt_hbm.at[widx.at[j]], wbuf, semw)
            c1 = pltpu.async_copy(p1t_hbm.at[p1idx.at[j]], p1buf, sem1)
            c2 = pltpu.async_copy(p2t_hbm.at[p2idx.at[j]], p2buf, sem2)
            cw.wait()
            c1.wait()
            c2.wait()
            base = base0 + j * _CHUNK
            pltpu.sync_copy(wbuf.at[:, pl.ds(0, d_word)],
                            out_hbm.at[pl.ds(base, _CHUNK), pl.ds(0, d_word)])
            pltpu.sync_copy(p1buf, out_hbm.at[pl.ds(base, _CHUNK),
                                              pl.ds(d_word, d_pos)])
            pltpu.sync_copy(p2buf, out_hbm.at[pl.ds(base, _CHUNK),
                                              pl.ds(d_word + d_pos, d_pos)])
            return carry

        lax.fori_loop(0, n_chunks, body, 0)

    return emb_kernel(word_i, pos1_i, pos2_i,
                      word_table, pos1_table, pos2_table)


def kernel(word, pos1, pos2, word_table, pos1_table, pos2_table):
    b, l = word.shape
    d_word = word_table.shape[1]
    d_pos = pos1_table.shape[1]
    n = b * l
    assert n % (_NUM_WORKERS * _CHUNK) == 0
    n_chunks = n // (_NUM_WORKERS * _CHUNK)

    shape = (_NUM_WORKERS, n_chunks, _CHUNK)
    word_i = word.reshape(shape).astype(jnp.int32)
    pos1_i = pos1.reshape(shape).astype(jnp.int32)
    pos2_i = pos2.reshape(shape).astype(jnp.int32)
    vocab = word_table.shape[0]
    word_table128 = jnp.concatenate(
        [word_table,
         jnp.zeros((vocab, _D_OUT - d_word), jnp.float32)], axis=1)

    out = _embed(word_i, pos1_i, pos2_i,
                 word_table128, pos1_table, pos2_table,
                 n_chunks, d_word, d_pos)
    return out[:, :d_word + 2 * d_pos].reshape(b, l, d_word + 2 * d_pos)

# --- scband reference (transcript-rebuilt; emitter-appended) ---
"""Pipeline reference for scband-embedding-14577119002906 (READ-ONLY COPY).

The authoritative reference and input builder live on the scoring server;
editing this copy changes nothing except your own understanding.
"""

import jax, jax.numpy as jnp
import numpy as np

VOCAB = 1000000
WORD_DIM = 64
POS_NUM = 512
POS_SIZE = 16
B = 1024
L = 200


def setup_inputs(seed: int = 0) -> dict:
    key = jax.random.key(seed)
    k1, k2, k3, k4, k5, k6 = jax.random.split(key, 6)
    word = jax.random.randint(k1, (B, L), 0, VOCAB)
    pos1 = jax.random.randint(k2, (B, L), 0, POS_NUM)
    pos2 = jax.random.randint(k3, (B, L), 0, POS_NUM)
    word_table = jax.random.normal(k4, (VOCAB, WORD_DIM), dtype=jnp.float32) * 0.02
    pos1_table = jax.random.normal(k5, (POS_NUM, POS_SIZE), dtype=jnp.float32) * 0.1
    pos1_table = pos1_table.at[0].set(0.0)  # padding_idx=0
    pos2_table = jax.random.normal(k6, (POS_NUM, POS_SIZE), dtype=jnp.float32) * 0.1
    pos2_table = pos2_table.at[0].set(0.0)  # padding_idx=0
    return {
        "word": word,
        "pos1": pos1,
        "pos2": pos2,
        "word_table": word_table,
        "pos1_table": pos1_table,
        "pos2_table": pos2_table,
    }


def reference(word, pos1, pos2, word_table, pos1_table, pos2_table):
    word_emb = jnp.take(word_table, word, axis=0)   # [B, L, WORD_DIM]
    pos1_emb = jnp.take(pos1_table, pos1, axis=0)   # [B, L, POS_SIZE]
    pos2_emb = jnp.take(pos2_table, pos2, axis=0)   # [B, L, POS_SIZE]
    embedding = jnp.concatenate([word_emb, pos1_emb, pos2_emb], axis=2)
    return embedding

if __name__ == "__main__":
    import jax
    _d = setup_inputs()
    print(jax.jit(kernel)(*tuple(_d.values())))

</pallas_src>

<mosaic_0001>
#map = affine_map<(d0, d1) -> (0, 0, 0)>
#map1 = affine_map<(d0, d1) -> (0, 0)>
module attributes {stable_mosaic.version = 14 : i64} {
  func.func @emb_kernel(%arg0: i32, %arg1: i32, %arg2: memref<32x16x400xi32, #tpu.memory_space<hbm>>, %arg3: memref<32x16x400xi32, #tpu.memory_space<hbm>>, %arg4: memref<32x16x400xi32, #tpu.memory_space<hbm>>, %arg5: memref<1000000x128xf32, #tpu.memory_space<hbm>>, %arg6: memref<512x16xf32, #tpu.memory_space<hbm>>, %arg7: memref<512x16xf32, #tpu.memory_space<hbm>>, %arg8: memref<204800x128xf32, #tpu.memory_space<hbm>>, %arg9: memref<16x400xi32, #tpu.memory_space<vmem>>, %arg10: memref<16x400xi32, #tpu.memory_space<vmem>>, %arg11: memref<16x400xi32, #tpu.memory_space<vmem>>, %arg12: memref<400x128xf32, #tpu.memory_space<vmem>>, %arg13: memref<400x16xf32, #tpu.memory_space<vmem>>, %arg14: memref<400x16xf32, #tpu.memory_space<vmem>>, %arg15: memref<!tpu.dma_semaphore, #tpu.memory_space<semaphore_mem>>, %arg16: memref<!tpu.dma_semaphore, #tpu.memory_space<semaphore_mem>>, %arg17: memref<!tpu.dma_semaphore, #tpu.memory_space<semaphore_mem>>) attributes {dimension_semantics = [#tpu.dimension_semantics<core_parallel>, #tpu.dimension_semantics<subcore_parallel>], iteration_bounds = array<i64: 2, 16>, scalar_prefetch = 0 : i64, scratch_operands = 9 : i64, tpu.core_type = #tpu.core_type<sc_vector_subcore>, window_params = [{transform_indices = #map}, {transform_indices = #map}, {transform_indices = #map}, {transform_indices = #map1}, {transform_indices = #map1}, {transform_indices = #map1}, {transform_indices = #map1}]} {
    %mul3A = arith.constant 2 : i32
    %mul3A_0 = arith.muli %arg1, %mul3A : i32
    %add3A = arith.addi %mul3A_0, %arg0 : i32
    "tpu.region"() ({
      %run_scoped3A = tpu.sem_alloc : memref<!tpu.dma_semaphore, #tpu.memory_space<semaphore_mem>>
      %dma_start3A = arith.constant 0 : i32
      %dma_start3A_8 = arith.constant 0 : i32
      %dma_start3A_9 = tpu.memref_slice %arg2[%add3A, %dma_start3A, %dma_start3A_8] : memref<32x16x400xi32, #tpu.memory_space<hbm>> -> memref<1x16x400xi32, #tpu.memory_space<hbm>>
      %dma_start3A_10 = tpu.memref_squeeze %dma_start3A_9 : memref<1x16x400xi32, #tpu.memory_space<hbm>> -> memref<16x400xi32, #tpu.memory_space<hbm>>
      %dma_start3A_11 = arith.constant 0 : i32
      %dma_start3A_12 = arith.constant 0 : i32
      %dma_start3A_13 = tpu.memref_slice %arg2[%add3A, %dma_start3A_11, %dma_start3A_12] : memref<32x16x400xi32, #tpu.memory_space<hbm>> -> memref<1x16x400xi32, #tpu.memory_space<hbm>>
      %dma_start3A_14 = tpu.memref_squeeze %dma_start3A_13 : memref<1x16x400xi32, #tpu.memory_space<hbm>> -> memref<16x400xi32, #tpu.memory_space<hbm>>
      tpu.enqueue_dma source(%dma_start3A_14 : memref<16x400xi32, #tpu.memory_space<hbm>>) target(%arg9 : memref<16x400xi32, #tpu.memory_space<vmem>>) target_semaphore(%run_scoped3A : memref<!tpu.dma_semaphore, #tpu.memory_space<semaphore_mem>>)
      %dma_wait3A = arith.constant 0 : i32
      %dma_wait3A_15 = arith.constant 0 : i32
      %dma_wait3A_16 = tpu.memref_slice %arg2[%add3A, %dma_wait3A, %dma_wait3A_15] : memref<32x16x400xi32, #tpu.memory_space<hbm>> -> memref<1x16x400xi32, #tpu.memory_space<hbm>>
      %dma_wait3A_17 = tpu.memref_squeeze %dma_wait3A_16 : memref<1x16x400xi32, #tpu.memory_space<hbm>> -> memref<16x400xi32, #tpu.memory_space<hbm>>
      %dma_wait3A_18 = arith.constant 0 : i32
      %dma_wait3A_19 = arith.constant 0 : i32
      %dma_wait3A_20 = tpu.memref_slice %arg2[%add3A, %dma_wait3A_18, %dma_wait3A_19] : memref<32x16x400xi32, #tpu.memory_space<hbm>> -> memref<1x16x400xi32, #tpu.memory_space<hbm>>
      %dma_wait3A_21 = tpu.memref_squeeze %dma_wait3A_20 : memref<1x16x400xi32, #tpu.memory_space<hbm>> -> memref<16x400xi32, #tpu.memory_space<hbm>>
      tpu.wait_dma2 semaphore(%run_scoped3A : memref<!tpu.dma_semaphore, #tpu.memory_space<semaphore_mem>>) src(%dma_wait3A_21 : memref<16x400xi32, #tpu.memory_space<hbm>>) dst(%arg9 : memref<16x400xi32, #tpu.memory_space<vmem>>)
      tpu.yield
    }) : () -> ()
    "tpu.region"() ({
      %run_scoped3A = tpu.sem_alloc : memref<!tpu.dma_semaphore, #tpu.memory_space<semaphore_mem>>
      %dma_start3A = arith.constant 0 : i32
      %dma_start3A_8 = arith.constant 0 : i32
      %dma_start3A_9 = tpu.memref_slice %arg3[%add3A, %dma_start3A, %dma_start3A_8] : memref<32x16x400xi32, #tpu.memory_space<hbm>> -> memref<1x16x400xi32, #tpu.memory_space<hbm>>
      %dma_start3A_10 = tpu.memref_squeeze %dma_start3A_9 : memref<1x16x400xi32, #tpu.memory_space<hbm>> -> memref<16x400xi32, #tpu.memory_space<hbm>>
      %dma_start3A_11 = arith.constant 0 : i32
      %dma_start3A_12 = arith.constant 0 : i32
      %dma_start3A_13 = tpu.memref_slice %arg3[%add3A, %dma_start3A_11, %dma_start3A_12] : memref<32x16x400xi32, #tpu.memory_space<hbm>> -> memref<1x16x400xi32, #tpu.memory_space<hbm>>
      %dma_start3A_14 = tpu.memref_squeeze %dma_start3A_13 : memref<1x16x400xi32, #tpu.memory_space<hbm>> -> memref<16x400xi32, #tpu.memory_space<hbm>>
      tpu.enqueue_dma source(%dma_start3A_14 : memref<16x400xi32, #tpu.memory_space<hbm>>) target(%arg10 : memref<16x400xi32, #tpu.memory_space<vmem>>) target_semaphore(%run_scoped3A : memref<!tpu.dma_semaphore, #tpu.memory_space<semaphore_mem>>)
      %dma_wait3A = arith.constant 0 : i32
      %dma_wait3A_15 = arith.constant 0 : i32
      %dma_wait3A_16 = tpu.memref_slice %arg3[%add3A, %dma_wait3A, %dma_wait3A_15] : memref<32x16x400xi32, #tpu.memory_space<hbm>> -> memref<1x16x400xi32, #tpu.memory_space<hbm>>
      %dma_wait3A_17 = tpu.memref_squeeze %dma_wait3A_16 : memref<1x16x400xi32, #tpu.memory_space<hbm>> -> memref<16x400xi32, #tpu.memory_space<hbm>>
      %dma_wait3A_18 = arith.constant 0 : i32
      %dma_wait3A_19 = arith.constant 0 : i32
      %dma_wait3A_20 = tpu.memref_slice %arg3[%add3A, %dma_wait3A_18, %dma_wait3A_19] : memref<32x16x400xi32, #tpu.memory_space<hbm>> -> memref<1x16x400xi32, #tpu.memory_space<hbm>>
      %dma_wait3A_21 = tpu.memref_squeeze %dma_wait3A_20 : memref<1x16x400xi32, #tpu.memory_space<hbm>> -> memref<16x400xi32, #tpu.memory_space<hbm>>
      tpu.wait_dma2 semaphore(%run_scoped3A : memref<!tpu.dma_semaphore, #tpu.memory_space<semaphore_mem>>) src(%dma_wait3A_21 : memref<16x400xi32, #tpu.memory_space<hbm>>) dst(%arg10 : memref<16x400xi32, #tpu.memory_space<vmem>>)
      tpu.yield
    }) : () -> ()
    "tpu.region"() ({
      %run_scoped3A = tpu.sem_alloc : memref<!tpu.dma_semaphore, #tpu.memory_space<semaphore_mem>>
      %dma_start3A = arith.constant 0 : i32
      %dma_start3A_8 = arith.constant 0 : i32
      %dma_start3A_9 = tpu.memref_slice %arg4[%add3A, %dma_start3A, %dma_start3A_8] : memref<32x16x400xi32, #tpu.memory_space<hbm>> -> memref<1x16x400xi32, #tpu.memory_space<hbm>>
      %dma_start3A_10 = tpu.memref_squeeze %dma_start3A_9 : memref<1x16x400xi32, #tpu.memory_space<hbm>> -> memref<16x400xi32, #tpu.memory_space<hbm>>
      %dma_start3A_11 = arith.constant 0 : i32
      %dma_start3A_12 = arith.constant 0 : i32
      %dma_start3A_13 = tpu.memref_slice %arg4[%add3A, %dma_start3A_11, %dma_start3A_12] : memref<32x16x400xi32, #tpu.memory_space<hbm>> -> memref<1x16x400xi32, #tpu.memory_space<hbm>>
      %dma_start3A_14 = tpu.memref_squeeze %dma_start3A_13 : memref<1x16x400xi32, #tpu.memory_space<hbm>> -> memref<16x400xi32, #tpu.memory_space<hbm>>
      tpu.enqueue_dma source(%dma_start3A_14 : memref<16x400xi32, #tpu.memory_space<hbm>>) target(%arg11 : memref<16x400xi32, #tpu.memory_space<vmem>>) target_semaphore(%run_scoped3A : memref<!tpu.dma_semaphore, #tpu.memory_space<semaphore_mem>>)
      %dma_wait3A = arith.constant 0 : i32
      %dma_wait3A_15 = arith.constant 0 : i32
      %dma_wait3A_16 = tpu.memref_slice %arg4[%add3A, %dma_wait3A, %dma_wait3A_15] : memref<32x16x400xi32, #tpu.memory_space<hbm>> -> memref<1x16x400xi32, #tpu.memory_space<hbm>>
      %dma_wait3A_17 = tpu.memref_squeeze %dma_wait3A_16 : memref<1x16x400xi32, #tpu.memory_space<hbm>> -> memref<16x400xi32, #tpu.memory_space<hbm>>
      %dma_wait3A_18 = arith.constant 0 : i32
      %dma_wait3A_19 = arith.constant 0 : i32
      %dma_wait3A_20 = tpu.memref_slice %arg4[%add3A, %dma_wait3A_18, %dma_wait3A_19] : memref<32x16x400xi32, #tpu.memory_space<hbm>> -> memref<1x16x400xi32, #tpu.memory_space<hbm>>
      %dma_wait3A_21 = tpu.memref_squeeze %dma_wait3A_20 : memref<1x16x400xi32, #tpu.memory_space<hbm>> -> memref<16x400xi32, #tpu.memory_space<hbm>>
      tpu.wait_dma2 semaphore(%run_scoped3A : memref<!tpu.dma_semaphore, #tpu.memory_space<semaphore_mem>>) src(%dma_wait3A_21 : memref<16x400xi32, #tpu.memory_space<hbm>>) dst(%arg11 : memref<16x400xi32, #tpu.memory_space<vmem>>)
      tpu.yield
    }) : () -> ()
    %mul3A_1 = arith.constant 6400 : i32
    %mul3A_2 = arith.muli %add3A, %mul3A_1 : i32
    %scan3A = arith.constant 0 : i32
    %scan3A_3 = arith.constant 0 : i32
    %scan3A_4 = arith.constant 16 : i32
    %scan3A_5 = arith.addi %scan3A_3, %scan3A_4 : i32
    %scan3A_6 = arith.constant 1 : i32
    scf.for %scan3A_8 = %scan3A_3 to %scan3A_5 step %scan3A_6  : i32 {
      %dma_start3A = arith.constant 0 : i32
      %dma_start3A_9 = tpu.memref_slice %arg9[%scan3A_8, %dma_start3A] : memref<16x400xi32, #tpu.memory_space<vmem>> -> memref<1x400xi32, #tpu.memory_space<vmem>>
      %dma_start3A_10 = tpu.memref_squeeze %dma_start3A_9 : memref<1x400xi32, #tpu.memory_space<vmem>> -> memref<400xi32, #tpu.memory_space<vmem>>
      %dma_start3A_11 = arith.constant 0 : i32
      %dma_start3A_12 = arith.constant 0 : i32
      %dma_start3A_13 = tpu.memref_slice %arg5[%dma_start3A_11, %dma_start3A_12] : memref<1000000x128xf32, #tpu.memory_space<hbm>> -> memref<1000000x128xf32, #tpu.memory_space<hbm>>
      tpu.enqueue_indirect_dma source(%dma_start3A_13 : memref<1000000x128xf32, #tpu.memory_space<hbm>>) target(%arg12 : memref<400x128xf32, #tpu.memory_space<vmem>>) offsets(%dma_start3A_10 : memref<400xi32, #tpu.memory_space<vmem>>) semaphore(%arg15 : memref<!tpu.dma_semaphore, #tpu.memory_space<semaphore_mem>>)
      %dma_start3A_14 = arith.constant 0 : i32
      %dma_start3A_15 = tpu.memref_slice %arg10[%scan3A_8, %dma_start3A_14] : memref<16x400xi32, #tpu.memory_space<vmem>> -> memref<1x400xi32, #tpu.memory_space<vmem>>
      %dma_start3A_16 = tpu.memref_squeeze %dma_start3A_15 : memref<1x400xi32, #tpu.memory_space<vmem>> -> memref<400xi32, #tpu.memory_space<vmem>>
      %dma_start3A_17 = arith.constant 0 : i32
      %dma_start3A_18 = arith.constant 0 : i32
      %dma_start3A_19 = tpu.memref_slice %arg6[%dma_start3A_17, %dma_start3A_18] : memref<512x16xf32, #tpu.memory_space<hbm>> -> memref<512x16xf32, #tpu.memory_space<hbm>>
      tpu.enqueue_indirect_dma source(%dma_start3A_19 : memref<512x16xf32, #tpu.memory_space<hbm>>) target(%arg13 : memref<400x16xf32, #tpu.memory_space<vmem>>) offsets(%dma_start3A_16 : memref<400xi32, #tpu.memory_space<vmem>>) semaphore(%arg16 : memref<!tpu.dma_semaphore, #tpu.memory_space<semaphore_mem>>)
      %dma_start3A_20 = arith.constant 0 : i32
      %dma_start3A_21 = tpu.memref_slice %arg11[%scan3A_8, %dma_start3A_20] : memref<16x400xi32, #tpu.memory_space<vmem>> -> memref<1x400xi32, #tpu.memory_space<vmem>>
      %dma_start3A_22 = tpu.memref_squeeze %dma_start3A_21 : memref<1x400xi32, #tpu.memory_space<vmem>> -> memref<400xi32, #tpu.memory_space<vmem>>
      %dma_start3A_23 = arith.constant 0 : i32
      %dma_start3A_24 = arith.constant 0 : i32
      %dma_start3A_25 = tpu.memref_slice %arg7[%dma_start3A_23, %dma_start3A_24] : memref<512x16xf32, #tpu.memory_space<hbm>> -> memref<512x16xf32, #tpu.memory_space<hbm>>
      tpu.enqueue_indirect_dma source(%dma_start3A_25 : memref<512x16xf32, #tpu.memory_space<hbm>>) target(%arg14 : memref<400x16xf32, #tpu.memory_space<vmem>>) offsets(%dma_start3A_22 : memref<400xi32, #tpu.memory_space<vmem>>) semaphore(%arg17 : memref<!tpu.dma_semaphore, #tpu.memory_space<semaphore_mem>>)
      %dma_wait3A = arith.constant 0 : i32
      %dma_wait3A_26 = tpu.memref_slice %arg9[%scan3A_8, %dma_wait3A] : memref<16x400xi32, #tpu.memory_space<vmem>> -> memref<1x400xi32, #tpu.memory_space<vmem>>
      %dma_wait3A_27 = tpu.memref_squeeze %dma_wait3A_26 : memref<1x400xi32, #tpu.memory_space<vmem>> -> memref<400xi32, #tpu.memory_space<vmem>>
      %dma_wait3A_28 = arith.constant 0 : i32
      %dma_wait3A_29 = arith.constant 0 : i32
      %dma_wait3A_30 = tpu.memref_slice %arg5[%dma_wait3A_28, %dma_wait3A_29] : memref<1000000x128xf32, #tpu.memory_space<hbm>> -> memref<1000000x128xf32, #tpu.memory_space<hbm>>
      tpu.wait_indirect_dma semaphore(%arg15 : memref<!tpu.dma_semaphore, #tpu.memory_space<semaphore_mem>>) src(%dma_wait3A_30 : memref<1000000x128xf32, #tpu.memory_space<hbm>>) dst(%arg12 : memref<400x128xf32, #tpu.memory_space<vmem>>)
      %dma_wait3A_31 = arith.constant 0 : i32
      %dma_wait3A_32 = tpu.memref_slice %arg10[%scan3A_8, %dma_wait3A_31] : memref<16x400xi32, #tpu.memory_space<vmem>> -> memref<1x400xi32, #tpu.memory_space<vmem>>
      %dma_wait3A_33 = tpu.memref_squeeze %dma_wait3A_32 : memref<1x400xi32, #tpu.memory_space<vmem>> -> memref<400xi32, #tpu.memory_space<vmem>>
      %dma_wait3A_34 = arith.constant 0 : i32
      %dma_wait3A_35 = arith.constant 0 : i32
      %dma_wait3A_36 = tpu.memref_slice %arg6[%dma_wait3A_34, %dma_wait3A_35] : memref<512x16xf32, #tpu.memory_space<hbm>> -> memref<512x16xf32, #tpu.memory_space<hbm>>
      tpu.wait_indirect_dma semaphore(%arg16 : memref<!tpu.dma_semaphore, #tpu.memory_space<semaphore_mem>>) src(%dma_wait3A_36 : memref<512x16xf32, #tpu.memory_space<hbm>>) dst(%arg13 : memref<400x16xf32, #tpu.memory_space<vmem>>)
      %dma_wait3A_37 = arith.constant 0 : i32
      %dma_wait3A_38 = tpu.memref_slice %arg11[%scan3A_8, %dma_wait3A_37] : memref<16x400xi32, #tpu.memory_space<vmem>> -> memref<1x400xi32, #tpu.memory_space<vmem>>
      %dma_wait3A_39 = tpu.memref_squeeze %dma_wait3A_38 : memref<1x400xi32, #tpu.memory_space<vmem>> -> memref<400xi32, #tpu.memory_space<vmem>>
      %dma_wait3A_40 = arith.constant 0 : i32
      %dma_wait3A_41 = arith.constant 0 : i32
      %dma_wait3A_42 = tpu.memref_slice %arg7[%dma_wait3A_40, %dma_wait3A_41] : memref<512x16xf32, #tpu.memory_space<hbm>> -> memref<512x16xf32, #tpu.memory_space<hbm>>
      tpu.wait_indirect_dma semaphore(%arg17 : memref<!tpu.dma_semaphore, #tpu.memory_space<semaphore_mem>>) src(%dma_wait3A_42 : memref<512x16xf32, #tpu.memory_space<hbm>>) dst(%arg14 : memref<400x16xf32, #tpu.memory_space<vmem>>)
      %mul3A_43 = arith.constant 400 : i32
      %mul3A_44 = arith.muli %scan3A_8, %mul3A_43 : i32
      %add3A_45 = arith.addi %mul3A_2, %mul3A_44 : i32
      "tpu.region"() ({
        %run_scoped3A = tpu.sem_alloc : memref<!tpu.dma_semaphore, #tpu.memory_space<semaphore_mem>>
        %dma_start3A_46 = arith.constant 0 : i32
        %dma_start3A_47 = arith.constant 0 : i32
        %dma_start3A_48 = tpu.memref_slice %arg12[%dma_start3A_46, %dma_start3A_47] : memref<400x128xf32, #tpu.memory_space<vmem>> -> memref<400x64xf32, #tpu.memory_space<vmem>>
        %dma_start3A_49 = arith.constant 0 : i32
        %dma_start3A_50 = tpu.memref_slice %arg8[%add3A_45, %dma_start3A_49] : memref<204800x128xf32, #tpu.memory_space<hbm>> -> memref<400x64xf32, #tpu.memory_space<hbm>>
        %dma_start3A_51 = arith.constant 0 : i32
        %dma_start3A_52 = tpu.memref_slice %arg8[%add3A_45, %dma_start3A_51] : memref<204800x128xf32, #tpu.memory_space<hbm>> -> memref<400x64xf32, #tpu.memory_space<hbm>>
        %dma_start3A_53 = arith.constant 0 : i32
        %dma_start3A_54 = arith.constant 0 : i32
        %dma_start3A_55 = tpu.memref_slice %arg12[%dma_start3A_53, %dma_start3A_54] : memref<400x128xf32, #tpu.memory_space<vmem>> -> memref<400x64xf32, #tpu.memory_space<vmem>>
        tpu.enqueue_dma source(%dma_start3A_55 : memref<400x64xf32, #tpu.memory_space<vmem>>) target(%dma_start3A_52 : memref<400x64xf32, #tpu.memory_space<hbm>>) target_semaphore(%run_scoped3A : memref<!tpu.dma_semaphore, #tpu.memory_space<semaphore_mem>>)
        %dma_wait3A_56 = arith.constant 0 : i32
        %dma_wait3A_57 = arith.constant 0 : i32
        %dma_wait3A_58 = tpu.memref_slice %arg12[%dma_wait3A_56, %dma_wait3A_57] : memref<400x128xf32, #tpu.memory_space<vmem>> -> memref<400x64xf32, #tpu.memory_space<vmem>>
        %dma_wait3A_59 = arith.constant 0 : i32
        %dma_wait3A_60 = tpu.memref_slice %arg8[%add3A_45, %dma_wait3A_59] : memref<204800x128xf32, #tpu.memory_space<hbm>> -> memref<400x64xf32, #tpu.memory_space<hbm>>
        %dma_wait3A_61 = arith.constant 0 : i32
        %dma_wait3A_62 = tpu.memref_slice %arg8[%add3A_45, %dma_wait3A_61] : memref<204800x128xf32, #tpu.memory_space<hbm>> -> memref<400x64xf32, #tpu.memory_space<hbm>>
        %dma_wait3A_63 = arith.constant 0 : i32
        %dma_wait3A_64 = arith.constant 0 : i32
        %dma_wait3A_65 = tpu.memref_slice %arg12[%dma_wait3A_63, %dma_wait3A_64] : memref<400x128xf32, #tpu.memory_space<vmem>> -> memref<400x64xf32, #tpu.memory_space<vmem>>
        tpu.wait_dma2 semaphore(%run_scoped3A : memref<!tpu.dma_semaphore, #tpu.memory_space<semaphore_mem>>) src(%dma_wait3A_65 : memref<400x64xf32, #tpu.memory_space<vmem>>) dst(%dma_wait3A_62 : memref<400x64xf32, #tpu.memory_space<hbm>>)
        tpu.yield
      }) : () -> ()
      "tpu.region"() ({
        %run_scoped3A = tpu.sem_alloc : memref<!tpu.dma_semaphore, #tpu.memory_space<semaphore_mem>>
        %dma_start3A_46 = arith.constant 64 : i32
        %dma_start3A_47 = tpu.memref_slice %arg8[%add3A_45, %dma_start3A_46] : memref<204800x128xf32, #tpu.memory_space<hbm>> -> memref<400x16xf32, #tpu.memory_space<hbm>>
        %dma_start3A_48 = arith.constant 64 : i32
        %dma_start3A_49 = tpu.memref_slice %arg8[%add3A_45, %dma_start3A_48] : memref<204800x128xf32, #tpu.memory_space<hbm>> -> memref<400x16xf32, #tpu.memory_space<hbm>>
        tpu.enqueue_dma source(%arg13 : memref<400x16xf32, #tpu.memory_space<vmem>>) target(%dma_start3A_49 : memref<400x16xf32, #tpu.memory_space<hbm>>) target_semaphore(%run_scoped3A : memref<!tpu.dma_semaphore, #tpu.memory_space<semaphore_mem>>)
        %dma_wait3A_50 = arith.constant 64 : i32
        %dma_wait3A_51 = tpu.memref_slice %arg8[%add3A_45, %dma_wait3A_50] : memref<204800x128xf32, #tpu.memory_space<hbm>> -> memref<400x16xf32, #tpu.memory_space<hbm>>
        %dma_wait3A_52 = arith.constant 64 : i32
        %dma_wait3A_53 = tpu.memref_slice %arg8[%add3A_45, %dma_wait3A_52] : memref<204800x128xf32, #tpu.memory_space<hbm>> -> memref<400x16xf32, #tpu.memory_space<hbm>>
        tpu.wait_dma2 semaphore(%run_scoped3A : memref<!tpu.dma_semaphore, #tpu.memory_space<semaphore_mem>>) src(%arg13 : memref<400x16xf32, #tpu.memory_space<vmem>>) dst(%dma_wait3A_53 : memref<400x16xf32, #tpu.memory_space<hbm>>)
        tpu.yield
      }) : () -> ()
      "tpu.region"() ({
        %run_scoped3A = tpu.sem_alloc : memref<!tpu.dma_semaphore, #tpu.memory_space<semaphore_mem>>
        %dma_start3A_46 = arith.constant 80 : i32
        %dma_start3A_47 = tpu.memref_slice %arg8[%add3A_45, %dma_start3A_46] : memref<204800x128xf32, #tpu.memory_space<hbm>> -> memref<400x16xf32, #tpu.memory_space<hbm>>
        %dma_start3A_48 = arith.constant 80 : i32
        %dma_start3A_49 = tpu.memref_slice %arg8[%add3A_45, %dma_start3A_48] : memref<204800x128xf32, #tpu.memory_space<hbm>> -> memref<400x16xf32, #tpu.memory_space<hbm>>
        tpu.enqueue_dma source(%arg14 : memref<400x16xf32, #tpu.memory_space<vmem>>) target(%dma_start3A_49 : memref<400x16xf32, #tpu.memory_space<hbm>>) target_semaphore(%run_scoped3A : memref<!tpu.dma_semaphore, #tpu.memory_space<semaphore_mem>>)
        %dma_wait3A_50 = arith.constant 80 : i32
        %dma_wait3A_51 = tpu.memref_slice %arg8[%add3A_45, %dma_wait3A_50] : memref<204800x128xf32, #tpu.memory_space<hbm>> -> memref<400x16xf32, #tpu.memory_space<hbm>>
        %dma_wait3A_52 = arith.constant 80 : i32
        %dma_wait3A_53 = tpu.memref_slice %arg8[%add3A_45, %dma_wait3A_52] : memref<204800x128xf32, #tpu.memory_space<hbm>> -> memref<400x16xf32, #tpu.memory_space<hbm>>
        tpu.wait_dma2 semaphore(%run_scoped3A : memref<!tpu.dma_semaphore, #tpu.memory_space<semaphore_mem>>) src(%arg14 : memref<400x16xf32, #tpu.memory_space<vmem>>) dst(%dma_wait3A_53 : memref<400x16xf32, #tpu.memory_space<hbm>>)
        tpu.yield
      }) : () -> ()
    }
    %scan3A_7 = arith.constant 16 : i32
    return
  }
}

</mosaic_0001>

<sc_bundles>
// kernel: _embed.3.cloned.1.call-start
scs
__scs_entry_jumppad:
0x0: {  	(pc) =	sbr.rel $0x88, $3  }
0x1: {  	(tag) =	ssettag $0x0;
	lr =	simm.s32 $0x1  }
0x2: {  	[smem:$0x3F9B] =	sst lr;
	_ =	strace $0xD0000000  }
0x3: {  	_ = 	snop  }
0x4: {  	_ = 	snop  }
0x5: {  	_ = 	snop  }
0x6: {  	_ = 	snop  }
0x7: {  	_ = 	snop  }
__scs_overlays_trampoline_lowered:
0x8: {  	[smem:$0x3FAA] =	sst s0  }
0x9: {  	[smem:$0x3FAB] =	sst s1  }
0xa: {  	[smem:$0x3FAC] =	sst s2  }
0xb: {  	[smem:$0x3FAD] =	sst s3  }
0xc: {  	[smem:$0x3FAE] =	sst s4  }
0xd: {  	[smem:$0x3FAF] =	sst s5  }
0xe: {  	[smem:$0x3FB0] =	sst s6  }
0xf: {  	[smem:$0x3FB1] =	sst s7  }
0x10: {  	[smem:$0x3FB2] =	sst s8  }
0x11: {  	[smem:$0x3FB3] =	sst s9;
	s0 =	simm.s32 @!p0 $0x0  }
0x12: {  	s1 =	sld [smem:$0x3F99];
	s0 =	simm.s32 @p0 $0x1  }
0x13: {  	[smem:$0x3FB4] =	sst s0;
	s0 =	simm.s32 @!p1 $0x0  }
0x14: {  	s2 =	sld [smem:$0x3F98];
	s0 =	simm.s32 @p1 $0x1  }
0x15: {  	[smem:$0x3FB5] =	sst s0;
	s0 =	simm.s32 @!p2 $0x0  }
0x16: {  	s3 =	sld [smem:$0x3FDB];
	s0 =	simm.s32 @p2 $0x1  }
0x17: {  	s4 =	simm.s32 $0x1BF5;
	[smem:$0x3FB7] =	sst s0  }
0x18: {  	s0 =	sld [smem:$0x3F9A];
	_ =	swait.ge [sflag:s4], $0x0  }
0x19: {  	s7 =	sld [smem:$0x3F9B]  }
0x1a: {  	s8 =	sadd.s32 $0xFFFFE003, lr  }
0x1b: {  	s9 =	sadd.s32 $0xFFFFFEF7, lr;
	s5 =	simm.s32 $0xFFFFFFFF;
	p2 =	slt.u32 s8, $0xFFFFF086  }
0x1c: {  	p1 =	slt.u32 s9, $0xF7A;
	s5 =	simm.s32 @!p2 $0x0  }
0x1d: {  	s5 =	simm.s32 @p1 $0x1;
	p0 =	seq.s32 s7, s2  }
0x1e: {  	s7 =	smul.u32 @!p0 $0xF7A, s2;
	p2 =	seq.s32 @!p0 s5, $0x0  }
0x1f: {  	s9 =	smul.u32 $0xF7A, s1;
	s8 =	simm.s32 @!p0 $0x1BF5;
	p2 =	por !p2, p0  }
0x20: {  	[sflag:s8] =	ssyncset.s32 @!p0 $0xFFFFF086;
	s6 =	sadd.s32 @!p0 s3, s7;
	s7 =	simm.s32 @!p0 $0x108  }
0x21: {  	s3 =	sadd.s32 s3, s9;
	s6 =	sadd.s32 @!p0 $0x88, s6;
	s7 =	simm.s32 @p2 $0x1082  }
0x22: {  	[simem:s7], [sflag:s8] =	dma.local @!p0 [hbm:s6], $0xF7A  }
0x23: {  	s9 =	sor.u32 $0xD0000000, s2;
	s6 =	simm.s32 $0x108;
	_ =	swait.ge @!p0 [sflag:s8], $0x0  }
0x24: {  	s3 =	sadd.s32 $0x88, s3;
	s6 =	simm.s32 @!p1 $0x1082;
	[sflag:s4] =	ssyncset.s32 $0xFFFFF086  }
0x25: {  	[simem:s6], [sflag:s4] =	dma.local [hbm:s3], $0xF7A  }
0x26: {  	[smem:$0x3F9B] =	sst s1;
	(tag) =	ssettag s2;
	_ =	strace s9  }
0x27: {  	s1 =	sld [smem:$0x3FAB]  }
0x28: {  	s2 =	sld [smem:$0x3FAC]  }
0x29: {  	s4 =	sld [smem:$0x3FAE]  }
0x2a: {  	p0 =	seq.s32 s5, $0x0;
	s5 =	sld [smem:$0x3FAF]  }
0x2b: {  	s6 =	sld [smem:$0x3FB0]  }
0x2c: {  	s7 =	sld [smem:$0x3FB1]  }
0x2d: {  	s3 =	simm.s32 $0x108;
	s8 =	sld [smem:$0x3FB2]  }
0x2e: {  	s3 =	simm.s32 @!p0 $0x1082;
	s9 =	sld [smem:$0x3FB3]  }
0x2f: {  	lr =	sadd.s32 s0, s3;
	s0 =	sld [smem:$0x3FAA]  }
0x30: {  	s3 =	sld [smem:$0x3FAD]  }
0x31: {  	[smem:$0x3FB6] =	sst s10  }
0x32: {  	s10 =	sld [smem:$0x3FB4];
	_ =	sdelay $0x3  }
0x33: {  	p0 =	seq.s32 s10, $0x1;
	s10 =	sld [smem:$0x3FB6];
	_ =	sdelay $0x3  }
0x34: {  	[smem:$0x3FB6] =	sst s10  }
0x35: {  	s10 =	sld [smem:$0x3FB5];
	_ =	sdelay $0x3  }
0x36: {  	p1 =	seq.s32 s10, $0x1;
	s10 =	sld [smem:$0x3FB6];
	_ =	sdelay $0x3  }
0x37: {  	[smem:$0x3FB6] =	sst s10  }
0x38: {  	s10 =	sld [smem:$0x3FB7]  }
0x39: {  	_ = 	snop;
	(pc) =	sbr.ind lr, $3  }
0x3a: {  	_ = 	snop  }
0x3b: {  	_ = 	snop  }
0x3c: {  	p2 =	seq.s32 s10, $0x1;
	s10 =	sld [smem:$0x3FB6]  }
0x3d: {  	_ =	shalt  }
0x3e: {  	_ =	shalt  }
0x3f: {  	_ =	shalt  }
0x40: {  	_ =	shalt  }
0x41: {  	_ =	shalt  }
0x42: {  	_ =	shalt  }
0x43: {  	_ =	shalt  }
0x44: {  	_ =	shalt  }
0x45: {  	_ =	shalt  }
0x46: {  	_ =	shalt  }
0x47: {  	_ =	shalt  }
0x48: {  	_ =	shalt  }
0x49: {  	_ =	shalt  }
0x4a: {  	_ =	shalt  }
0x4b: {  	_ =	shalt  }
0x4c: {  	_ =	shalt  }
0x4d: {  	_ =	shalt  }
0x4e: {  	_ =	shalt  }
0x4f: {  	_ =	shalt  }
0x50: {  	_ =	shalt  }
0x51: {  	_ =	shalt  }
0x52: {  	_ =	shalt  }
0x53: {  	_ =	shalt  }
0x54: {  	_ =	shalt  }
0x55: {  	_ =	shalt  }
0x56: {  	_ =	shalt  }
0x57: {  	_ =	shalt  }
0x58: {  	_ =	shalt  }
0x59: {  	_ =	shalt  }
0x5a: {  	_ =	shalt  }
0x5b: {  	_ =	shalt  }
0x5c: {  	_ =	shalt  }
0x5d: {  	_ =	shalt  }
0x5e: {  	_ =	shalt  }
0x5f: {  	_ =	shalt  }
0x60: {  	_ =	shalt  }
0x61: {  	_ =	shalt  }
0x62: {  	_ =	shalt  }
0x63: {  	_ =	shalt  }
0x64: {  	_ =	shalt  }
0x65: {  	_ =	shalt  }
0x66: {  	_ =	shalt  }
0x67: {  	_ =	shalt  }
0x68: {  	_ =	shalt  }
0x69: {  	_ =	shalt  }
0x6a: {  	_ =	shalt  }
0x6b: {  	_ =	shalt  }
0x6c: {  	_ =	shalt  }
0x6d: {  	_ =	shalt  }
0x6e: {  	_ =	shalt  }
0x6f: {  	_ =	shalt  }
0x70: {  	_ =	shalt  }
0x71: {  	_ =	shalt  }
0x72: {  	_ =	shalt  }
0x73: {  	_ =	shalt  }
0x74: {  	_ =	shalt  }
0x75: {  	_ =	shalt  }
0x76: {  	_ =	shalt  }
0x77: {  	_ =	shalt  }
0x78: {  	_ =	shalt  }
0x79: {  	_ =	shalt  }
0x7a: {  	_ =	shalt  }
0x7b: {  	_ =	shalt  }
0x7c: {  	_ =	shalt  }
0x7d: {  	_ =	shalt  }
0x7e: {  	_ =	shalt  }
0x7f: {  	_ =	shalt  }
0x80: {  	_ =	shalt  }
0x81: {  	_ =	shalt  }
0x82: {  	_ =	shalt  }
0x83: {  	_ =	shalt  }
0x84: {  	_ =	shalt  }
0x85: {  	_ =	shalt  }
0x86: {  	_ =	shalt  }
0x87: {  	_ =	shalt  }
.Lfunc_end0:
.L_simem_size_0:
called_computation_lowered:
.L_overlay_start_0:
0x88: {  	s2 =	sld [smem:$0x3FD9]  }
0x89: {  	s3 =	sld [smem:$0x3FFE];
	_ =	sdelay $0x1  }
0x8a: {  	s1 =	srdreg.scid  }
0x8b: {  	s0 =	sand.u32 $0x1, s1  }
0x8c: {  	s17 =	sshll.u32 s0, $0xA;
	s2 =	sadd.s32 s3, s2  }
0x8d: {  	s2 =	sadd.s32 s2, s17  }
0x8e: {  	[smem:$0x3FC2] =	sst s2  }
0x8f: {  	_ = 	snop  }
0x90: {  	s2 =	sld [smem:$0x3FC6]  }
0x91: {  	s18 =	sld [smem:$0x3FD0];
	(tm) =	ssettm $0x1  }
0x92: {  	s4 =	sld [smem:$0x3FFB];
	_ =	sdelay $0x3  }
0x93: {  	_ =	strace s4  }
0x94: {  	s4 =	sld [smem:$0x3FFC];
	_ =	sdelay $0x3  }
0x95: {  	_ =	strace s4  }
0x96: {  	s4 =	sld [smem:$0x3FFD];
	_ =	sdelay $0x3  }
0x97: {  	_ =	strace s4  }
0x98: {  	_ =	strace $0x8FFFFFFF  }
0x99: {  	s19 =	sld [smem:$0x3FDB];
	_ =	sdelay $0x1  }
0x9a: {  	s5 =	simm.s32 $_scs_section_size  }
0x9b: {  	s6 =	simm.s32 $_size__tile_overlayer_lowered;
	s7 =	simm.s32 $_tile_overlayer_lowered  }
0x9c: {  	s22 =	simm.s32 $0x1BFF;
	s21 =	sshll.u32 s7, $0x1;
	s4 =	sadd.s32 s5, s19  }
0x9d: {  	s8 =	simm.s32 $0x0;
	s20 =	sshll.u32 s6, $0x1;
	s6 =	sadd.s32 s21, s4  }
0x9e: {  	[timem:s8], [sflag:s22] =	dma.local [hbm:s6], s20  }
0x9f: {  	_ =	swait.ge [sflag:s22], s20  }
0xa0: {  	s5 =	ssub.s32 $0x0, s20;
	[sflag:s22] =	ssyncset.done $0x0  }
0xa1: {  	[sflag:s22] =	ssyncadd.s32 s5;
	_ =	sdelay $0x1  }
0xa2: {  	s23 =	simm.s32 $0x1B8B  }
0xa3: {  	_ =	swait.ge [sflag:s23], $0x1  }
0xa4: {  	[sflag:s23] =	ssyncset.done $0x0  }
0xa5: {  	s25 =	simm.s32 $0x1B8E;
	s24 =	sld [smem:$0x3FFE];
	[sflag:s23] =	ssyncadd.s32 $0xFFFFFFFF  }
0xa6: {  	s26 =	simm.s32 $execute0_lowered;
	[smem:$0x3FD2] =	sst s25  }
0xa7: {  	s6 =	sshll.u32 s26, $0x1;
	_ =	strace $0x80000046;
	[dreg:$0x1] =	wrdreg $0xFFFFFFFF  }
0xa8: {  	s28 =	simm.s32 $_size_execute0_lowered;
	s4 =	sadd.s32 s4, s6;
	[dreg:$0x0] =	wrdreg $0x0  }
0xa9: {  	s6 =	sshll.u32 s28, $0x1;
	[dreg:$0x2] =	wrdreg s4  }
0xaa: {  	[dreg:$0x3] =	wrdreg s6  }
0xab: {  	[dreg:$0x4] =	wrdreg $0xC0  }
0xac: {  	_ =	task [dreg:s8], $0x5FFFF  }
0xad: {  	[dreg:$0x1] =	wrdreg $0xFFFFFFFF  }
0xae: {  	[dreg:$0x0] =	wrdreg $0x60  }
0xaf: {  	[dreg:$0x2] =	wrdreg s24  }
0xb0: {  	[dreg:$0x3] =	wrdreg s2  }
0xb1: {  	[dreg:$0x4] =	wrdreg s18  }
0xb2: {  	[dreg:$0x5] =	wrdreg $0x9  }
0xb3: {  	_ =	task.clear_ibuf [dreg:s8], $0x6FFFF;
	_ =	strace $0x90000046  }
0xb4: {  	s29 =	simm.s32 $0x9;
	_ =	strace $0x80000048  }
0xb5: {  	_ =	swait.ge [sflag:s29], $0x1  }
0xb6: {  	[sflag:s29] =	ssyncadd.s32 $0xFFFFFFFF  }
0xb7: {  	_ =	strace $0x90000048  }
0xb8: {  	_ =	sfence  }
0xb9: {  	s30 =	sld [smem:$0x0];
	_ =	sdelay $0x2  }
0xba: {  	s31 =	sshll.u32 s1, $0xD;
	s1 =	sshrl.u32 s1, $0x2  }
0xbb: {  	s3 =	sand.u32 $0x4000, s31;
	s1 =	sadd.s32 s1, s30  }
0xbc: {  	s0 =	sor.u32 s3, s0;
	s1 =	sshll.u32 s1, $0x11  }
0xbd: {  	s0 =	sor.u32 s1, s0  }
0xbe: {  	s0 =	sadd.s32 $0x8F2B, s0  }
0xbf: {  	[sflag:s0] =	ssyncadd.remote.s32 $0x1  }
0xc0: {  	_ =	sfence.sel $0xFFFF  }
0xc1: {  	[dreg:$0x0] =	wrdreg $0xFFFFFFFF;
	(pc) =	sbr.abs _section_cstart, $3  }
0xc2: {  	[dreg:$0x1] =	wrdreg $0xFFFFFFFF  }
0xc3: {  	_ =	task.clear_ibuf [dreg:s8], $0x2FFFF;
	_ =	strace $0x9FFFFFFF  }
0xc4: {  	(tm) =	ssettm $0x7FFFFFFF  }
0xc5: {  	_ =	shalt  }
tec
execute0_lowered:
.L_overlay_start_1:
0x0: {  	(tag) =	ssettag $0x1  }
0x1: {  	s0 =	srdreg.scid  }
0x2: {  	s2 =	stileid.u32;
	s1 =	rddreg [dreg:$0x0];
	s5 =	simm.s32 $0x0  }
0x3: {  	s14 =	simm.s32 $0x4;
	s15 =	simm.s32 $0x1900;
	s16 =	simm.s32 $0x3200  }
0x4: {  	s17 =	simm.s32 $0x190;
	s18 =	simm.s32 $0x11300;
	s19 =	simm.s32 $0x12C00  }
0x5: {  	s20 =	simm.s32 $0x1;
	s21 =	simm.s32 $0x2;
	s22 =	simm.s32 $0x3  }
0x6: {  	s23 =	simm.s32 $0x10;
	s24 =	simm.s32 $0x80;
	s25 =	simm.s32 $0x0  }
0x7: {  	s0 =	sand.u32 $0x1, s0;
	s3 =	sshll.u32 s2, $0x1;
	s2 =	rddreg [dreg:$0x1]  }
0x8: {  	[smem:$0x7FF] =	sst s5;
	s7 =	sadd.s32 $0x800, s1;
	s4 =	sor.u32 s0, s3  }
0x9: {  	s3 =	rddreg [dreg:$0x2];
	s0 =	ssub.s32 $0x2, s0;
	s4 =	smul.u32 $0x1900, s4  }
0xa: {  	_ =	strace $0x80000047;
	s8 =	sshrl.u32 s0, $0x1;
	s11 =	sadd.s32 $0x8, s3  }
0xb: {  	s12 =	sadd.s32 $0xA, s3;
	s0 =	ssub.s32 s0, s8;
	s6 =	sshrl.u32 s4, $0x3  }
0xc: {  	s13 =	smax.u32 s0, $0x1;
	s10 =	sadd.s32 s6, s1;
	s6 =	sadd.s32 $0x400, s1  }
0xd: {  	s8 =	sadd.s32 $0xC00, s10;
	s9 =	sadd.s32 $0x7000, s10;
	s10 =	sadd.s32 $0xD400, s10  }
.LBB2_1:
0xe: {  	[tilespmem:s5], [sflag:$0x4] =	stream.linear.gather [hbm4b:s8+s5], $0x1900, $0x38;
	[tilespmem:$0x14500] =	vst v63  }
0xf: {  	_ =	swait.ge [sflag:s14], $0x1900  }
0x10: {  	[sflag:s14] =	ssyncset.done $0x0  }
0x11: {  	[sflag:s14] =	ssyncadd.s32 $0xFFFFE700  }
0x12: {  	[tilespmem:s15], [sflag:$0x4] =	stream.linear.gather [hbm4b:s9+s5], $0x1900, $0x38;
	[tilespmem:$0x14500] =	vst v63  }
0x13: {  	_ =	swait.ge [sflag:s14], $0x1900  }
0x14: {  	[sflag:s14] =	ssyncset.done $0x0  }
0x15: {  	[sflag:s14] =	ssyncadd.s32 $0xFFFFE700  }
0x16: {  	[tilespmem:s16], [sflag:$0x4] =	stream.linear.gather [hbm4b:s10+s5], $0x1900, $0x38;
	[tilespmem:$0x14500] =	vst v63  }
0x17: {  	_ =	swait.ge [sflag:s14], $0x1900  }
0x18: {  	[sflag:s14] =	ssyncset.done $0x0  }
0x19: {  	s26 =	simm.s32 $0x0;
	[sflag:s14] =	ssyncadd.s32 $0xFFFFE700  }
.LBB2_2:
0x1a: {  	s0 =	smul.u32 $0x190, s26  }
0x1b: {  	s28 =	simm.s32 $0x4B00  }
0x1c: {  	[tilespmem:s28], [sflag:$0x1] =	stream.indirect.gather [hbm4b:s2+s17], $0x80, s0, s17, $0xb8;
	[tilespmem:$0x14500] =	vst v63  }
0x1d: {  	s1 =	sadd.s32 $0x1900, s0  }
0x1e: {  	[tilespmem:s18], [sflag:$0x2] =	stream.indirect.gather [hbm4b:s6+s17], $0x10, s1, s17, $0xb8;
	[tilespmem:$0x14500] =	vst v63  }
0x1f: {  	s1 =	sadd.s32 $0x3200, s0  }
0x20: {  	[tilespmem:s19], [sflag:$0x3] =	stream.indirect.gather [hbm4b:s7+s17], $0x10, s1, s17, $0xb8;
	[tilespmem:$0x14500] =	vst v63  }
0x21: {  	_ =	swait.ge [sflag:s20], $0xC800  }
0x22: {  	[sflag:s20] =	ssyncset.done $0x0  }
0x23: {  	[sflag:s20] =	ssyncadd.s32 $0xFFFF3800  }
0x24: {  	_ =	swait.ge [sflag:s21], $0x1900  }
0x25: {  	[sflag:s21] =	ssyncset.done $0x0  }
0x26: {  	s0 =	sadd.s32 s4, s0;
	[sflag:s21] =	ssyncadd.s32 $0xFFFFE700  }
0x27: {  	s29 =	sshll.u32 s0, $0x4;
	_ =	swait.ge [sflag:s22], $0x1900  }
0x28: {  	s31 =	simm.s32 $0x10;
	s30 =	sadd.s32 s3, s29;
	[sflag:s22] =	ssyncset.done $0x0  }
0x29: {  	s1 =	simm.s32 $0x4B80;
	s0 =	sadd.s32 $0x0, s30;
	[sflag:s22] =	ssyncadd.s32 $0xFFFFE700  }
.LBB2_3:
0x2a: {  	[hbm4b:s0+s5] =	stream.linear.scatter [tilespmem:s28], [sflag:$0x4], $0x40, $0x38;
	[tilespmem:$0x14500] =	vst v63  }
0x2b: {  	s0 =	smov.u32 s31;
	s28 =	smov.u32 s1;
	p0 =	sne.s32 s31, $0x18F0  }
.Ltmp0:
0x2c: {  	s31 =	sadd.s32 $0x10, s31;
	(pc) =	sbr.rel @p0 .LBB2_3-.Ltmp0, $2  }
0x2d: {  	_ =	sdelay $0x2  }
0x2e: {  	s1 =	sadd.s32 $0x80, s1;
	s0 =	sadd.s32 s0, s30  }
0x2f: {  	[hbm4b:s0+s5] =	stream.linear.scatter [tilespmem:s28], [sflag:$0x4], $0x40, $0x38;
	[tilespmem:$0x14500] =	vst v63  }
0x30: {  	_ =	swait.ge [sflag:s14], $0x6400  }
0x31: {  	[sflag:s14] =	ssyncset.done $0x0  }
0x32: {  	s30 =	sadd.s32 s29, s11;
	[sflag:s14] =	ssyncadd.s32 $0xFFFF9C00  }
0x33: {  	[hbm4b:s30+s23] =	stream.strided.scatter [tilespmem:s18], [sflag:$0x4], $0x1900, s24, s23, $0x38;
	[tilespmem:$0x14500] =	vst v63  }
0x34: {  	s26 =	sadd.s32 $0x1, s26;
	_ =	swait.ge [sflag:s14], $0x1900  }
0x35: {  	p0 =	sne.s32 s26, $0x10;
	[sflag:s14] =	ssyncset.done $0x0  }
.Ltmp1:
0x36: {  	s31 =	sadd.s32 s29, s12;
	[sflag:s14] =	ssyncadd.s32 $0xFFFFE700;
	(pc) =	sbr.rel @p0 .LBB2_2-.Ltmp1, $4  }
0x37: {  	[hbm4b:s31+s23] =	stream.strided.scatter [tilespmem:s19], [sflag:$0x4], $0x1900, s24, s23, $0x38;
	[tilespmem:$0x14500] =	vst v63  }
0x38: {  	_ =	swait.ge [sflag:s14], $0x1900  }
0x39: {  	[sflag:s14] =	ssyncset.done $0x0  }
0x3a: {  	[sflag:s14] =	ssyncadd.s32 $0xFFFFE700  }
0x3b: {  	s25 =	sadd.s32 $0x1, s25  }
0x3c: {  	p0 =	sne.s32 s25, s13  }
.Ltmp2:
0x3d: {  	_ = 	snop;
	(pc) =	sbr.rel @p0 .LBB2_1-.Ltmp2, $1  }
0x3e: {  	_ =	sdelay $0x3  }
0x3f: {  	_ =	sfence.sel $0x180000  }
0x40: {  	[bflag:$0x0] =	sbarrier.arrive $0xFFFF  }
0x41: {  	_ =	strace $0x90000047  }
0x42: {  	s0 =	stileid.u32;
	[bflag:$0x2] =	sbarrier.arrive $0xFFFF  }
0x43: {  	p0 =	sne.s32 s0, $0x0;
	s0 =	rddreg [dreg:$0x3]  }
0x44: {  	s0 =	sadd.s32 @!p0 $0x100000, s0  }
0x45: {  	[sflag:s0] =	ssyncadd.tile.s32 @!p0 $0x1;
	_ =	shalt  }
.Lfunc_end2:
_tile_overlayer_lowered:
.L_overlay_start_2:
0x46: {  	(tag) =	ssettag $0x2  }
0x47: {  	s0 =	rddreg [dreg:$0x0];
	s2 =	stileid.u32  }
0x48: {  	s1 =	rddreg [dreg:$0x1];
	p0 =	sne.s32 s2, $0x0  }
0x49: {  	s3 =	rddreg [dreg:$0x2];
	[bflag:$0x3] =	sbarrier.arrive $0xFFFF;
	s2 =	simm.s32 @!p0 $0x1C04  }
0x4a: {  	[timem:s3], [sflag:s2] =	dma.local @!p0 [hbm:s0], s1  }
0x4b: {  	s0 =	simm.s32 @!p0 $0x4  }
0x4c: {  	_ =	swait.ge @!p0 [sflag:s0], s1  }
0x4d: {  	s1 =	ssub.s32 @!p0 $0x0, s1;
	[sflag:s0] =	ssyncset.done @!p0 $0x0  }
0x4e: {  	[sflag:s0] =	ssyncadd.s32 @!p0 s1  }
0x4f: {  	[bflag:$0x3] =	sbarrier.arrive $0xFFFF  }
0x50: {  	_ =	shalt  }

</sc_bundles>
